<compile_context>
chip_gen: v7x
topology: tpu7x:2x2x1
jax: 0.10.2.dev20260603
libtpu: 0.0.44.dev20260713+nightly
codegen_flags: <defaults>
</compile_context>

<pallas_src>
import functools

import jax
import jax.numpy as jnp
from jax import lax
from jax.experimental import pallas as pl
from jax.experimental.pallas import tpu as pltpu
from jax.experimental.pallas import tpu_sc as plsc

_NC = 2
_NS = 16
_NW = _NC * _NS
_LANES = 16
_FOLD = 8
_BLKR = 8192


def _scores_tc(emb8, wrep):
    N, K = emb8.shape
    grid = (N + _BLKR - 1) // _BLKR

    def body(w_ref, e_ref, o_ref):
        g = lax.dot_general(
            w_ref[...], e_ref[...],
            (((1,), (1,)), ((), ())),
            preferred_element_type=jnp.float32,
            precision=lax.Precision.HIGHEST)
        o_ref[...] = g.reshape(_FOLD, _BLKR // 128, 128).swapaxes(0, 1) \
                      .reshape(_FOLD * _BLKR)

    return pl.pallas_call(
        body,
        grid=(grid,),
        in_specs=[
            pl.BlockSpec((_FOLD, K), lambda i: (0, 0)),
            pl.BlockSpec((_BLKR, K), lambda i: (i, 0)),
        ],
        out_specs=pl.BlockSpec((_FOLD * _BLKR,), lambda i: (i,)),
        out_shape=jax.ShapeDtypeStruct((grid * _FOLD * _BLKR,), jnp.float32),
    )(wrep, emb8)


def _make_sc_pool(B, S):
    rows_per_tile = B // _NW
    groups = rows_per_tile // _LANES
    mesh = plsc.VectorSubcoreMesh(core_axis_name="c", subcore_axis_name="s")

    @functools.partial(
        pl.kernel,
        mesh=mesh,
        out_type=jax.ShapeDtypeStruct((B,), jnp.float32),
        scratch_types=[
            pltpu.VMEM((S, rows_per_tile), jnp.int32),
            pltpu.VMEM((S, rows_per_tile), jnp.float32),
            pltpu.VMEM((rows_per_tile,), jnp.float32),
            pltpu.VMEM((_LANES,), jnp.float32),
            pltpu.SemaphoreType.DMA,
        ],
    )
    def sc_pool(scores_hbm, ids_hbm, b_hbm, out_hbm,
                idx_v, vals_v, outb_v, b_v, sem):
        wid = lax.axis_index("s") * _NC + lax.axis_index("c")
        pltpu.sync_copy(ids_hbm.at[wid], idx_v)
        pltpu.sync_copy(b_hbm, b_v)

        def fire(j, carry):
            pltpu.async_copy(scores_hbm.at[idx_v.at[j]], vals_v.at[j], sem)
            return carry

        lax.fori_loop(0, S, fire, 0)

        def drain(j, carry):
            pltpu.make_async_copy(scores_hbm.at[idx_v.at[j]],
                                  vals_v.at[j], sem).wait()
            return carry

        lax.fori_loop(0, S, drain, 0)

        bias = b_v[...]
        for g in range(groups):
            def red(s, acc, _g=g):
                return acc + vals_v[s, pl.ds(_g * _LANES, _LANES)]

            acc = lax.fori_loop(0, S, red, jnp.zeros((_LANES,), jnp.float32))
            outb_v[pl.ds(g * _LANES, _LANES)] = acc + bias

        pltpu.sync_copy(outb_v, out_hbm.at[pl.ds(wid * rows_per_tile,
                                                 rows_per_tile)])

    return sc_pool


def kernel(input_ids, embedding, head_w, head_b):
    B, S = input_ids.shape
    V, D = embedding.shape
    assert D == 32 and B % (_NW * _LANES) == 0 and V % _FOLD == 0
    N = V // _FOLD

    emb8 = embedding.reshape(N, _FOLD * D)
    k = jnp.arange(_FOLD * D, dtype=jnp.int32)
    wrep = jnp.where(
        (k[None, :] // D) == jnp.arange(_FOLD, dtype=jnp.int32)[:, None],
        jnp.tile(head_w.astype(jnp.float32).reshape(D) * (1.0 / S),
                 _FOLD)[None, :],
        0.0)
    scores = _scores_tc(emb8, wrep)

    rows_per_tile = B // _NW
    r = input_ids // _FOLD
    pids = (r // 128) * 1024 + (input_ids % _FOLD) * 128 + (r % 128)
    ids_t = jnp.swapaxes(pids.reshape(_NW, rows_per_tile, S), 1, 2)
    b16 = jnp.broadcast_to(head_b.astype(jnp.float32), (_LANES,))

    return _make_sc_pool(B, S)(scores, ids_t, b16)

# --- scband reference (transcript-rebuilt; emitter-appended) ---
"""Pipeline reference for scband-simple-reward-model-7009386627372 (READ-ONLY COPY).

The authoritative reference and input builder live on the scoring server;
editing this copy changes nothing except your own understanding.
"""

import jax, jax.numpy as jnp
import numpy as np

VOCAB = 1000000
D_MODEL = 32
BATCH = 4096
SEQ = 200

def setup_inputs(seed: int = 0) -> dict:
    key = jax.random.key(seed)
    k1, k2, k3 = jax.random.split(key, 3)
    input_ids = jax.random.randint(k1, (BATCH, SEQ), 0, VOCAB, dtype=jnp.int64 if jax.config.jax_enable_x64 else jnp.int32)
    embedding = jax.random.normal(k2, (VOCAB, D_MODEL), dtype=jnp.float32) * 0.02
    head_w = jax.random.normal(k3, (D_MODEL, 1), dtype=jnp.float32) * (1.0 / np.sqrt(D_MODEL))
    head_b = jnp.zeros((1,), dtype=jnp.float32)
    return {"input_ids": input_ids, "embedding": embedding, "head_w": head_w, "head_b": head_b}

def reference(input_ids, embedding, head_w, head_b):
    # h = embedding(input_ids)  -> gather rows
    h = jnp.take(embedding, input_ids, axis=0)          # [B, S, D]
    pooled = jnp.mean(h, axis=1)                         # [B, D]
    reward = (pooled @ head_w + head_b).squeeze(-1)      # [B]
    return reward

if __name__ == "__main__":
    import jax
    _d = setup_inputs()
    print(jax.jit(kernel)(*tuple(_d.values())))

</pallas_src>

<mosaic_0001>
#map = affine_map<(d0, d1) -> (0)>
#map1 = affine_map<(d0, d1) -> (0, 0, 0)>
module attributes {stable_mosaic.version = 14 : i64} {
  func.func @sc_pool(%arg0: i32, %arg1: i32, %arg2: memref<1048576xf32, #tpu.memory_space<hbm>>, %arg3: memref<32x200x128xi32, #tpu.memory_space<hbm>>, %arg4: memref<16xf32, #tpu.memory_space<hbm>>, %arg5: memref<4096xf32, #tpu.memory_space<hbm>>, %arg6: memref<200x128xi32, #tpu.memory_space<vmem>>, %arg7: memref<200x128xf32, #tpu.memory_space<vmem>>, %arg8: memref<128xf32, #tpu.memory_space<vmem>>, %arg9: memref<16xf32, #tpu.memory_space<vmem>>, %arg10: memref<!tpu.dma_semaphore, #tpu.memory_space<semaphore_mem>>) attributes {dimension_semantics = [#tpu.dimension_semantics<core_parallel>, #tpu.dimension_semantics<subcore_parallel>], iteration_bounds = array<i64: 2, 16>, scalar_prefetch = 0 : i64, scratch_operands = 5 : i64, tpu.core_type = #tpu.core_type<sc_vector_subcore>, window_params = [{transform_indices = #map}, {transform_indices = #map1}, {transform_indices = #map}, {transform_indices = #map}]} {
    %mul3A = arith.constant 2 : i32
    %mul3A_0 = arith.muli %arg1, %mul3A : i32
    %add3A = arith.addi %mul3A_0, %arg0 : i32
    "tpu.region"() ({
      %run_scoped3A = tpu.sem_alloc : memref<!tpu.dma_semaphore, #tpu.memory_space<semaphore_mem>>
      %dma_start3A = arith.constant 0 : i32
      %dma_start3A_118 = arith.constant 0 : i32
      %dma_start3A_119 = tpu.memref_slice %arg3[%add3A, %dma_start3A, %dma_start3A_118] : memref<32x200x128xi32, #tpu.memory_space<hbm>> -> memref<1x200x128xi32, #tpu.memory_space<hbm>>
      %dma_start3A_120 = tpu.memref_squeeze %dma_start3A_119 : memref<1x200x128xi32, #tpu.memory_space<hbm>> -> memref<200x128xi32, #tpu.memory_space<hbm>>
      %dma_start3A_121 = arith.constant 0 : i32
      %dma_start3A_122 = arith.constant 0 : i32
      %dma_start3A_123 = tpu.memref_slice %arg3[%add3A, %dma_start3A_121, %dma_start3A_122] : memref<32x200x128xi32, #tpu.memory_space<hbm>> -> memref<1x200x128xi32, #tpu.memory_space<hbm>>
      %dma_start3A_124 = tpu.memref_squeeze %dma_start3A_123 : memref<1x200x128xi32, #tpu.memory_space<hbm>> -> memref<200x128xi32, #tpu.memory_space<hbm>>
      tpu.enqueue_dma source(%dma_start3A_124 : memref<200x128xi32, #tpu.memory_space<hbm>>) target(%arg6 : memref<200x128xi32, #tpu.memory_space<vmem>>) target_semaphore(%run_scoped3A : memref<!tpu.dma_semaphore, #tpu.memory_space<semaphore_mem>>)
      %dma_wait3A = arith.constant 0 : i32
      %dma_wait3A_125 = arith.constant 0 : i32
      %dma_wait3A_126 = tpu.memref_slice %arg3[%add3A, %dma_wait3A, %dma_wait3A_125] : memref<32x200x128xi32, #tpu.memory_space<hbm>> -> memref<1x200x128xi32, #tpu.memory_space<hbm>>
      %dma_wait3A_127 = tpu.memref_squeeze %dma_wait3A_126 : memref<1x200x128xi32, #tpu.memory_space<hbm>> -> memref<200x128xi32, #tpu.memory_space<hbm>>
      %dma_wait3A_128 = arith.constant 0 : i32
      %dma_wait3A_129 = arith.constant 0 : i32
      %dma_wait3A_130 = tpu.memref_slice %arg3[%add3A, %dma_wait3A_128, %dma_wait3A_129] : memref<32x200x128xi32, #tpu.memory_space<hbm>> -> memref<1x200x128xi32, #tpu.memory_space<hbm>>
      %dma_wait3A_131 = tpu.memref_squeeze %dma_wait3A_130 : memref<1x200x128xi32, #tpu.memory_space<hbm>> -> memref<200x128xi32, #tpu.memory_space<hbm>>
      tpu.wait_dma2 semaphore(%run_scoped3A : memref<!tpu.dma_semaphore, #tpu.memory_space<semaphore_mem>>) src(%dma_wait3A_131 : memref<200x128xi32, #tpu.memory_space<hbm>>) dst(%arg6 : memref<200x128xi32, #tpu.memory_space<vmem>>)
      tpu.yield
    }) : () -> ()
    "tpu.region"() ({
      %run_scoped3A = tpu.sem_alloc : memref<!tpu.dma_semaphore, #tpu.memory_space<semaphore_mem>>
      tpu.enqueue_dma source(%arg4 : memref<16xf32, #tpu.memory_space<hbm>>) target(%arg9 : memref<16xf32, #tpu.memory_space<vmem>>) target_semaphore(%run_scoped3A : memref<!tpu.dma_semaphore, #tpu.memory_space<semaphore_mem>>)
      tpu.wait_dma2 semaphore(%run_scoped3A : memref<!tpu.dma_semaphore, #tpu.memory_space<semaphore_mem>>) src(%arg4 : memref<16xf32, #tpu.memory_space<hbm>>) dst(%arg9 : memref<16xf32, #tpu.memory_space<vmem>>)
      tpu.yield
    }) : () -> ()
    %scan3A = arith.constant 0 : i32
    %scan3A_1 = arith.constant 0 : i32
    %scan3A_2 = arith.constant 200 : i32
    %scan3A_3 = arith.addi %scan3A_1, %scan3A_2 : i32
    %scan3A_4 = arith.constant 1 : i32
    scf.for %scan3A_118 = %scan3A_1 to %scan3A_3 step %scan3A_4  : i32 {
      %dma_start3A = arith.constant 0 : i32
      %dma_start3A_119 = tpu.memref_slice %arg7[%scan3A_118, %dma_start3A] : memref<200x128xf32, #tpu.memory_space<vmem>> -> memref<1x128xf32, #tpu.memory_space<vmem>>
      %dma_start3A_120 = tpu.memref_squeeze %dma_start3A_119 : memref<1x128xf32, #tpu.memory_space<vmem>> -> memref<128xf32, #tpu.memory_space<vmem>>
      %dma_start3A_121 = arith.constant 0 : i32
      %dma_start3A_122 = tpu.memref_slice %arg6[%scan3A_118, %dma_start3A_121] : memref<200x128xi32, #tpu.memory_space<vmem>> -> memref<1x128xi32, #tpu.memory_space<vmem>>
      %dma_start3A_123 = tpu.memref_squeeze %dma_start3A_122 : memref<1x128xi32, #tpu.memory_space<vmem>> -> memref<128xi32, #tpu.memory_space<vmem>>
      %dma_start3A_124 = arith.constant 0 : i32
      %dma_start3A_125 = tpu.memref_slice %arg2[%dma_start3A_124] : memref<1048576xf32, #tpu.memory_space<hbm>> -> memref<1048576xf32, #tpu.memory_space<hbm>>
      tpu.enqueue_indirect_dma source(%dma_start3A_125 : memref<1048576xf32, #tpu.memory_space<hbm>>) target(%dma_start3A_120 : memref<128xf32, #tpu.memory_space<vmem>>) offsets(%dma_start3A_123 : memref<128xi32, #tpu.memory_space<vmem>>) semaphore(%arg10 : memref<!tpu.dma_semaphore, #tpu.memory_space<semaphore_mem>>)
    }
    %scan3A_5 = arith.constant 200 : i32
    %scan3A_6 = arith.constant 0 : i32
    %scan3A_7 = arith.constant 0 : i32
    %scan3A_8 = arith.constant 200 : i32
    %scan3A_9 = arith.addi %scan3A_7, %scan3A_8 : i32
    %scan3A_10 = arith.constant 1 : i32
    scf.for %scan3A_118 = %scan3A_7 to %scan3A_9 step %scan3A_10  : i32 {
      %dma_wait3A = arith.constant 0 : i32
      %dma_wait3A_119 = tpu.memref_slice %arg7[%scan3A_118, %dma_wait3A] : memref<200x128xf32, #tpu.memory_space<vmem>> -> memref<1x128xf32, #tpu.memory_space<vmem>>
      %dma_wait3A_120 = tpu.memref_squeeze %dma_wait3A_119 : memref<1x128xf32, #tpu.memory_space<vmem>> -> memref<128xf32, #tpu.memory_space<vmem>>
      %dma_wait3A_121 = arith.constant 0 : i32
      %dma_wait3A_122 = tpu.memref_slice %arg6[%scan3A_118, %dma_wait3A_121] : memref<200x128xi32, #tpu.memory_space<vmem>> -> memref<1x128xi32, #tpu.memory_space<vmem>>
      %dma_wait3A_123 = tpu.memref_squeeze %dma_wait3A_122 : memref<1x128xi32, #tpu.memory_space<vmem>> -> memref<128xi32, #tpu.memory_space<vmem>>
      %dma_wait3A_124 = arith.constant 0 : i32
      %dma_wait3A_125 = tpu.memref_slice %arg2[%dma_wait3A_124] : memref<1048576xf32, #tpu.memory_space<hbm>> -> memref<1048576xf32, #tpu.memory_space<hbm>>
      tpu.wait_indirect_dma semaphore(%arg10 : memref<!tpu.dma_semaphore, #tpu.memory_space<semaphore_mem>>) src(%dma_wait3A_125 : memref<1048576xf32, #tpu.memory_space<hbm>>) dst(%dma_wait3A_120 : memref<128xf32, #tpu.memory_space<vmem>>)
    }
    %scan3A_11 = arith.constant 200 : i32
    %get3A = arith.constant 0 : index
    %get3A_12 = tpu.vector_load %arg9[%get3A] {strides = array<i32>} : memref<16xf32, #tpu.memory_space<vmem>>, vector<16xf32>,
    %get3A_13 = vector.shape_cast %get3A_12 : vector<16xf32> to vector<16xf32>
    %broadcast_in_dim3A = arith.constant 0.000000e+00 : f32
    %broadcast_in_dim3A_14 = vector.broadcast %broadcast_in_dim3A : f32 to vector<16xf32>
    %scan3A_15 = arith.constant 0 : i32
    %scan3A_16 = arith.constant 200 : i32
    %scan3A_17 = arith.addi %scan3A_15, %scan3A_16 : i32
    %scan3A_18 = arith.constant 1 : i32
    %scan3A_19 = scf.for %scan3A_118 = %scan3A_15 to %scan3A_17 step %scan3A_18 iter_args(%scan3A_119 = %broadcast_in_dim3A_14) -> (vector<16xf32>)  : i32 {
      %get3A_120 = arith.index_cast %scan3A_118 : i32 to index
      %get3A_121 = arith.constant 0 : index
      %get3A_122 = tpu.vector_load %arg7[%get3A_120, %get3A_121] {strides = array<i32>} : memref<200x128xf32, #tpu.memory_space<vmem>>, vector<1x16xf32>,
      %get3A_123 = vector.shape_cast %get3A_122 : vector<1x16xf32> to vector<16xf32>
      %add3A_124 = arith.addf %scan3A_119, %get3A_123 : vector<16xf32>
      scf.yield %add3A_124 : vector<16xf32>
    }
    %scan3A_20 = arith.constant 200 : i32
    %add3A_21 = arith.addf %scan3A_19, %get3A_13 : vector<16xf32>
    %swap3A = arith.constant 0 : index
    %swap3A_22 = tpu.vector_load %arg8[%swap3A] {strides = array<i32>} : memref<128xf32, #tpu.memory_space<vmem>>, vector<16xf32>,
    %swap3A_23 = vector.shape_cast %swap3A_22 : vector<16xf32> to vector<16xf32>
    %swap3A_24 = vector.shape_cast %add3A_21 : vector<16xf32> to vector<16xf32>
    tpu.vector_store %arg8[%swap3A], %swap3A_24 {strides = array<i32>} : memref<128xf32, #tpu.memory_space<vmem>>, vector<16xf32>,
    %broadcast_in_dim3A_25 = arith.constant 0.000000e+00 : f32
    %broadcast_in_dim3A_26 = vector.broadcast %broadcast_in_dim3A_25 : f32 to vector<16xf32>
    %scan3A_27 = arith.constant 0 : i32
    %scan3A_28 = arith.constant 200 : i32
    %scan3A_29 = arith.addi %scan3A_27, %scan3A_28 : i32
    %scan3A_30 = arith.constant 1 : i32
    %scan3A_31 = scf.for %scan3A_118 = %scan3A_27 to %scan3A_29 step %scan3A_30 iter_args(%scan3A_119 = %broadcast_in_dim3A_26) -> (vector<16xf32>)  : i32 {
      %get3A_120 = arith.index_cast %scan3A_118 : i32 to index
      %get3A_121 = arith.constant 16 : index
      %get3A_122 = tpu.vector_load %arg7[%get3A_120, %get3A_121] {strides = array<i32>} : memref<200x128xf32, #tpu.memory_space<vmem>>, vector<1x16xf32>,
      %get3A_123 = vector.shape_cast %get3A_122 : vector<1x16xf32> to vector<16xf32>
      %add3A_124 = arith.addf %scan3A_119, %get3A_123 : vector<16xf32>
      scf.yield %add3A_124 : vector<16xf32>
    }
    %scan3A_32 = arith.constant 200 : i32
    %add3A_33 = arith.addf %scan3A_31, %get3A_13 : vector<16xf32>
    %swap3A_34 = arith.constant 16 : index
    %swap3A_35 = tpu.vector_load %arg8[%swap3A_34] {strides = array<i32>} : memref<128xf32, #tpu.memory_space<vmem>>, vector<16xf32>,
    %swap3A_36 = vector.shape_cast %swap3A_35 : vector<16xf32> to vector<16xf32>
    %swap3A_37 = vector.shape_cast %add3A_33 : vector<16xf32> to vector<16xf32>
    tpu.vector_store %arg8[%swap3A_34], %swap3A_37 {strides = array<i32>} : memref<128xf32, #tpu.memory_space<vmem>>, vector<16xf32>,
    %broadcast_in_dim3A_38 = arith.constant 0.000000e+00 : f32
    %broadcast_in_dim3A_39 = vector.broadcast %broadcast_in_dim3A_38 : f32 to vector<16xf32>
    %scan3A_40 = arith.constant 0 : i32
    %scan3A_41 = arith.constant 200 : i32
    %scan3A_42 = arith.addi %scan3A_40, %scan3A_41 : i32
    %scan3A_43 = arith.constant 1 : i32
    %scan3A_44 = scf.for %scan3A_118 = %scan3A_40 to %scan3A_42 step %scan3A_43 iter_args(%scan3A_119 = %broadcast_in_dim3A_39) -> (vector<16xf32>)  : i32 {
      %get3A_120 = arith.index_cast %scan3A_118 : i32 to index
      %get3A_121 = arith.constant 32 : index
      %get3A_122 = tpu.vector_load %arg7[%get3A_120, %get3A_121] {strides = array<i32>} : memref<200x128xf32, #tpu.memory_space<vmem>>, vector<1x16xf32>,
      %get3A_123 = vector.shape_cast %get3A_122 : vector<1x16xf32> to vector<16xf32>
      %add3A_124 = arith.addf %scan3A_119, %get3A_123 : vector<16xf32>
      scf.yield %add3A_124 : vector<16xf32>
    }
    %scan3A_45 = arith.constant 200 : i32
    %add3A_46 = arith.addf %scan3A_44, %get3A_13 : vector<16xf32>
    %swap3A_47 = arith.constant 32 : index
    %swap3A_48 = tpu.vector_load %arg8[%swap3A_47] {strides = array<i32>} : memref<128xf32, #tpu.memory_space<vmem>>, vector<16xf32>,
    %swap3A_49 = vector.shape_cast %swap3A_48 : vector<16xf32> to vector<16xf32>
    %swap3A_50 = vector.shape_cast %add3A_46 : vector<16xf32> to vector<16xf32>
    tpu.vector_store %arg8[%swap3A_47], %swap3A_50 {strides = array<i32>} : memref<128xf32, #tpu.memory_space<vmem>>, vector<16xf32>,
    %broadcast_in_dim3A_51 = arith.constant 0.000000e+00 : f32
    %broadcast_in_dim3A_52 = vector.broadcast %broadcast_in_dim3A_51 : f32 to vector<16xf32>
    %scan3A_53 = arith.constant 0 : i32
    %scan3A_54 = arith.constant 200 : i32
    %scan3A_55 = arith.addi %scan3A_53, %scan3A_54 : i32
    %scan3A_56 = arith.constant 1 : i32
    %scan3A_57 = scf.for %scan3A_118 = %scan3A_53 to %scan3A_55 step %scan3A_56 iter_args(%scan3A_119 = %broadcast_in_dim3A_52) -> (vector<16xf32>)  : i32 {
      %get3A_120 = arith.index_cast %scan3A_118 : i32 to index
      %get3A_121 = arith.constant 48 : index
      %get3A_122 = tpu.vector_load %arg7[%get3A_120, %get3A_121] {strides = array<i32>} : memref<200x128xf32, #tpu.memory_space<vmem>>, vector<1x16xf32>,
      %get3A_123 = vector.shape_cast %get3A_122 : vector<1x16xf32> to vector<16xf32>
      %add3A_124 = arith.addf %scan3A_119, %get3A_123 : vector<16xf32>
      scf.yield %add3A_124 : vector<16xf32>
    }
    %scan3A_58 = arith.constant 200 : i32
    %add3A_59 = arith.addf %scan3A_57, %get3A_13 : vector<16xf32>
    %swap3A_60 = arith.constant 48 : index
    %swap3A_61 = tpu.vector_load %arg8[%swap3A_60] {strides = array<i32>} : memref<128xf32, #tpu.memory_space<vmem>>, vector<16xf32>,
    %swap3A_62 = vector.shape_cast %swap3A_61 : vector<16xf32> to vector<16xf32>
    %swap3A_63 = vector.shape_cast %add3A_59 : vector<16xf32> to vector<16xf32>
    tpu.vector_store %arg8[%swap3A_60], %swap3A_63 {strides = array<i32>} : memref<128xf32, #tpu.memory_space<vmem>>, vector<16xf32>,
    %broadcast_in_dim3A_64 = arith.constant 0.000000e+00 : f32
    %broadcast_in_dim3A_65 = vector.broadcast %broadcast_in_dim3A_64 : f32 to vector<16xf32>
    %scan3A_66 = arith.constant 0 : i32
    %scan3A_67 = arith.constant 200 : i32
    %scan3A_68 = arith.addi %scan3A_66, %scan3A_67 : i32
    %scan3A_69 = arith.constant 1 : i32
    %scan3A_70 = scf.for %scan3A_118 = %scan3A_66 to %scan3A_68 step %scan3A_69 iter_args(%scan3A_119 = %broadcast_in_dim3A_65) -> (vector<16xf32>)  : i32 {
      %get3A_120 = arith.index_cast %scan3A_118 : i32 to index
      %get3A_121 = arith.constant 64 : index
      %get3A_122 = tpu.vector_load %arg7[%get3A_120, %get3A_121] {strides = array<i32>} : memref<200x128xf32, #tpu.memory_space<vmem>>, vector<1x16xf32>,
      %get3A_123 = vector.shape_cast %get3A_122 : vector<1x16xf32> to vector<16xf32>
      %add3A_124 = arith.addf %scan3A_119, %get3A_123 : vector<16xf32>
      scf.yield %add3A_124 : vector<16xf32>
    }
    %scan3A_71 = arith.constant 200 : i32
    %add3A_72 = arith.addf %scan3A_70, %get3A_13 : vector<16xf32>
    %swap3A_73 = arith.constant 64 : index
    %swap3A_74 = tpu.vector_load %arg8[%swap3A_73] {strides = array<i32>} : memref<128xf32, #tpu.memory_space<vmem>>, vector<16xf32>,
    %swap3A_75 = vector.shape_cast %swap3A_74 : vector<16xf32> to vector<16xf32>
    %swap3A_76 = vector.shape_cast %add3A_72 : vector<16xf32> to vector<16xf32>
    tpu.vector_store %arg8[%swap3A_73], %swap3A_76 {strides = array<i32>} : memref<128xf32, #tpu.memory_space<vmem>>, vector<16xf32>,
    %broadcast_in_dim3A_77 = arith.constant 0.000000e+00 : f32
    %broadcast_in_dim3A_78 = vector.broadcast %broadcast_in_dim3A_77 : f32 to vector<16xf32>
    %scan3A_79 = arith.constant 0 : i32
    %scan3A_80 = arith.constant 200 : i32
    %scan3A_81 = arith.addi %scan3A_79, %scan3A_80 : i32
    %scan3A_82 = arith.constant 1 : i32
    %scan3A_83 = scf.for %scan3A_118 = %scan3A_79 to %scan3A_81 step %scan3A_82 iter_args(%scan3A_119 = %broadcast_in_dim3A_78) -> (vector<16xf32>)  : i32 {
      %get3A_120 = arith.index_cast %scan3A_118 : i32 to index
      %get3A_121 = arith.constant 80 : index
      %get3A_122 = tpu.vector_load %arg7[%get3A_120, %get3A_121] {strides = array<i32>} : memref<200x128xf32, #tpu.memory_space<vmem>>, vector<1x16xf32>,
      %get3A_123 = vector.shape_cast %get3A_122 : vector<1x16xf32> to vector<16xf32>
      %add3A_124 = arith.addf %scan3A_119, %get3A_123 : vector<16xf32>
      scf.yield %add3A_124 : vector<16xf32>
    }
    %scan3A_84 = arith.constant 200 : i32
    %add3A_85 = arith.addf %scan3A_83, %get3A_13 : vector<16xf32>
    %swap3A_86 = arith.constant 80 : index
    %swap3A_87 = tpu.vector_load %arg8[%swap3A_86] {strides = array<i32>} : memref<128xf32, #tpu.memory_space<vmem>>, vector<16xf32>,
    %swap3A_88 = vector.shape_cast %swap3A_87 : vector<16xf32> to vector<16xf32>
    %swap3A_89 = vector.shape_cast %add3A_85 : vector<16xf32> to vector<16xf32>
    tpu.vector_store %arg8[%swap3A_86], %swap3A_89 {strides = array<i32>} : memref<128xf32, #tpu.memory_space<vmem>>, vector<16xf32>,
    %broadcast_in_dim3A_90 = arith.constant 0.000000e+00 : f32
    %broadcast_in_dim3A_91 = vector.broadcast %broadcast_in_dim3A_90 : f32 to vector<16xf32>
    %scan3A_92 = arith.constant 0 : i32
    %scan3A_93 = arith.constant 200 : i32
    %scan3A_94 = arith.addi %scan3A_92, %scan3A_93 : i32
    %scan3A_95 = arith.constant 1 : i32
    %scan3A_96 = scf.for %scan3A_118 = %scan3A_92 to %scan3A_94 step %scan3A_95 iter_args(%scan3A_119 = %broadcast_in_dim3A_91) -> (vector<16xf32>)  : i32 {
      %get3A_120 = arith.index_cast %scan3A_118 : i32 to index
      %get3A_121 = arith.constant 96 : index
      %get3A_122 = tpu.vector_load %arg7[%get3A_120, %get3A_121] {strides = array<i32>} : memref<200x128xf32, #tpu.memory_space<vmem>>, vector<1x16xf32>,
      %get3A_123 = vector.shape_cast %get3A_122 : vector<1x16xf32> to vector<16xf32>
      %add3A_124 = arith.addf %scan3A_119, %get3A_123 : vector<16xf32>
      scf.yield %add3A_124 : vector<16xf32>
    }
    %scan3A_97 = arith.constant 200 : i32
    %add3A_98 = arith.addf %scan3A_96, %get3A_13 : vector<16xf32>
    %swap3A_99 = arith.constant 96 : index
    %swap3A_100 = tpu.vector_load %arg8[%swap3A_99] {strides = array<i32>} : memref<128xf32, #tpu.memory_space<vmem>>, vector<16xf32>,
    %swap3A_101 = vector.shape_cast %swap3A_100 : vector<16xf32> to vector<16xf32>
    %swap3A_102 = vector.shape_cast %add3A_98 : vector<16xf32> to vector<16xf32>
    tpu.vector_store %arg8[%swap3A_99], %swap3A_102 {strides = array<i32>} : memref<128xf32, #tpu.memory_space<vmem>>, vector<16xf32>,
    %broadcast_in_dim3A_103 = arith.constant 0.000000e+00 : f32
    %broadcast_in_dim3A_104 = vector.broadcast %broadcast_in_dim3A_103 : f32 to vector<16xf32>
    %scan3A_105 = arith.constant 0 : i32
    %scan3A_106 = arith.constant 200 : i32
    %scan3A_107 = arith.addi %scan3A_105, %scan3A_106 : i32
    %scan3A_108 = arith.constant 1 : i32
    %scan3A_109 = scf.for %scan3A_118 = %scan3A_105 to %scan3A_107 step %scan3A_108 iter_args(%scan3A_119 = %broadcast_in_dim3A_104) -> (vector<16xf32>)  : i32 {
      %get3A_120 = arith.index_cast %scan3A_118 : i32 to index
      %get3A_121 = arith.constant 112 : index
      %get3A_122 = tpu.vector_load %arg7[%get3A_120, %get3A_121] {strides = array<i32>} : memref<200x128xf32, #tpu.memory_space<vmem>>, vector<1x16xf32>,
      %get3A_123 = vector.shape_cast %get3A_122 : vector<1x16xf32> to vector<16xf32>
      %add3A_124 = arith.addf %scan3A_119, %get3A_123 : vector<16xf32>
      scf.yield %add3A_124 : vector<16xf32>
    }
    %scan3A_110 = arith.constant 200 : i32
    %add3A_111 = arith.addf %scan3A_109, %get3A_13 : vector<16xf32>
    %swap3A_112 = arith.constant 112 : index
    %swap3A_113 = tpu.vector_load %arg8[%swap3A_112] {strides = array<i32>} : memref<128xf32, #tpu.memory_space<vmem>>, vector<16xf32>,
    %swap3A_114 = vector.shape_cast %swap3A_113 : vector<16xf32> to vector<16xf32>
    %swap3A_115 = vector.shape_cast %add3A_111 : vector<16xf32> to vector<16xf32>
    tpu.vector_store %arg8[%swap3A_112], %swap3A_115 {strides = array<i32>} : memref<128xf32, #tpu.memory_space<vmem>>, vector<16xf32>,
    %mul3A_116 = arith.constant 128 : i32
    %mul3A_117 = arith.muli %add3A, %mul3A_116 : i32
    "tpu.region"() ({
      %run_scoped3A = tpu.sem_alloc : memref<!tpu.dma_semaphore, #tpu.memory_space<semaphore_mem>>
      %dma_start3A = tpu.memref_slice %arg5[%mul3A_117] : memref<4096xf32, #tpu.memory_space<hbm>> -> memref<128xf32, #tpu.memory_space<hbm>>
      %dma_start3A_118 = tpu.memref_slice %arg5[%mul3A_117] : memref<4096xf32, #tpu.memory_space<hbm>> -> memref<128xf32, #tpu.memory_space<hbm>>
      tpu.enqueue_dma source(%arg8 : memref<128xf32, #tpu.memory_space<vmem>>) target(%dma_start3A_118 : memref<128xf32, #tpu.memory_space<hbm>>) target_semaphore(%run_scoped3A : memref<!tpu.dma_semaphore, #tpu.memory_space<semaphore_mem>>)
      %dma_wait3A = tpu.memref_slice %arg5[%mul3A_117] : memref<4096xf32, #tpu.memory_space<hbm>> -> memref<128xf32, #tpu.memory_space<hbm>>
      %dma_wait3A_119 = tpu.memref_slice %arg5[%mul3A_117] : memref<4096xf32, #tpu.memory_space<hbm>> -> memref<128xf32, #tpu.memory_space<hbm>>
      tpu.wait_dma2 semaphore(%run_scoped3A : memref<!tpu.dma_semaphore, #tpu.memory_space<semaphore_mem>>) src(%arg8 : memref<128xf32, #tpu.memory_space<vmem>>) dst(%dma_wait3A_119 : memref<128xf32, #tpu.memory_space<hbm>>)
      tpu.yield
    }) : () -> ()
    return
  }
}

module attributes {stable_mosaic.version = 14 : i64} {
  func.func @body(%arg0: i32, %arg1: memref<8x256xf32, #tpu.memory_space<vmem>>, %arg2: memref<8192x256xf32, #tpu.memory_space<vmem>>, %arg3: memref<65536xf32, #tpu.memory_space<vmem>>) attributes {dimension_semantics = [#tpu.dimension_semantics<arbitrary>], iteration_bounds = array<i64: 16>, scalar_prefetch = 0 : i64, scratch_operands = 0 : i64, tpu.core_type = #tpu.core_type<tc>, window_params = [{pipeline_mode = #tpu.pipeline_mode<synchronous>, transform_indices = @transform_0, window_bounds = array<i64: 8, 256>}, {transform_indices = @transform_1, window_bounds = array<i64: 8192, 256>}, {transform_indices = @transform_2, window_bounds = array<i64: 65536>}]} {
    %get3A = arith.constant 0 : index
    %get3A_0 = arith.constant 0 : index
    %get3A_1 = vector.load %arg1[%get3A, %get3A_0] : memref<8x256xf32, #tpu.memory_space<vmem>>, vector<8x256xf32>
    %get3A_2 = arith.constant 0 : index
    %get3A_3 = arith.constant 0 : index
    %get3A_4 = vector.load %arg2[%get3A_2, %get3A_3] : memref<8192x256xf32, #tpu.memory_space<vmem>>, vector<8192x256xf32>
    %dot_general3A = arith.constant dense<0.000000e+00> : vector<8x8192xf32>
    %dot_general3A_5 = tpu.matmul %get3A_1, %get3A_4, %dot_general3A {dimension_numbers = #tpu.dot_dimension_numbers<[1], [1], [0], [0], [0, 0, 1, 0], [], []>, precision = #tpu.contract_precision<fp32>, transpose_lhs_hint = false} : vector<8x256xf32>, vector<8192x256xf32>, vector<8x8192xf32> -> vector<8x8192xf32>
    %reshape3A = vector.shape_cast %dot_general3A_5 : vector<8x8192xf32> to vector<8x64x128xf32>
    %transpose3A = tpu.transpose %reshape3A, [1, 0, 2] : vector<8x64x128xf32> -> vector<64x8x128xf32>
    %reshape3A_6 = vector.shape_cast %transpose3A : vector<64x8x128xf32> to vector<65536xf32>
    %swap3A = arith.constant 0 : index
    %swap3A_7 = vector.load %arg3[%swap3A] : memref<65536xf32, #tpu.memory_space<vmem>>, vector<65536xf32>
    tpu.vector_store %arg3[%swap3A], %reshape3A_6 {strides = array<i32>} : memref<65536xf32, #tpu.memory_space<vmem>>, vector<65536xf32>,
    return
  }
  func.func @transform_0(%arg0: i32) -> (i32, i32) {
    %c0_i32 = arith.constant 0 : i32
    %c0_i32_0 = arith.constant 0 : i32
    %c0_i32_1 = arith.constant 0 : i32
    return %c0_i32, %c0_i32_0 : i32, i32
  }
  func.func @transform_1(%arg0: i32) -> (i32, i32) {
    %c0_i32 = arith.constant 0 : i32
    %c0_i32_0 = arith.constant 0 : i32
    return %arg0, %c0_i32 : i32, i32
  }
  func.func @transform_2(%arg0: i32) -> i32 {
    %c0_i32 = arith.constant 0 : i32
    return %arg0 : i32
  }
}

</mosaic_0001>

<sc_bundles>
// kernel: kernel.4.cloned.1.call-start
scs
__scs_entry_jumppad:
0x0: {  	(pc) =	sbr.rel $0x88, $3  }
0x1: {  	(tag) =	ssettag $0x0;
	lr =	simm.s32 $0x1  }
0x2: {  	[smem:$0x3F9D] =	sst lr;
	_ =	strace $0xD0000000  }
0x3: {  	_ = 	snop  }
0x4: {  	_ = 	snop  }
0x5: {  	_ = 	snop  }
0x6: {  	_ = 	snop  }
0x7: {  	_ = 	snop  }
__scs_overlays_trampoline_lowered:
0x8: {  	[smem:$0x3FAC] =	sst s0  }
0x9: {  	[smem:$0x3FAD] =	sst s1  }
0xa: {  	[smem:$0x3FAE] =	sst s2  }
0xb: {  	[smem:$0x3FAF] =	sst s3  }
0xc: {  	[smem:$0x3FB0] =	sst s4  }
0xd: {  	[smem:$0x3FB1] =	sst s5  }
0xe: {  	[smem:$0x3FB2] =	sst s6  }
0xf: {  	[smem:$0x3FB3] =	sst s7  }
0x10: {  	[smem:$0x3FB4] =	sst s8  }
0x11: {  	[smem:$0x3FB5] =	sst s9;
	s0 =	simm.s32 @!p0 $0x0  }
0x12: {  	s1 =	sld [smem:$0x3F9B];
	s0 =	simm.s32 @p0 $0x1  }
0x13: {  	[smem:$0x3FB6] =	sst s0;
	s0 =	simm.s32 @!p1 $0x0  }
0x14: {  	s2 =	sld [smem:$0x3F9A];
	s0 =	simm.s32 @p1 $0x1  }
0x15: {  	[smem:$0x3FB7] =	sst s0;
	s0 =	simm.s32 @!p2 $0x0  }
0x16: {  	s3 =	sld [smem:$0x3FDB];
	s0 =	simm.s32 @p2 $0x1  }
0x17: {  	s4 =	simm.s32 $0x1BF5;
	[smem:$0x3FB9] =	sst s0  }
0x18: {  	s0 =	sld [smem:$0x3F9C];
	_ =	swait.ge [sflag:s4], $0x0  }
0x19: {  	s7 =	sld [smem:$0x3F9D]  }
0x1a: {  	s8 =	sadd.s32 $0xFFFFE003, lr  }
0x1b: {  	s9 =	sadd.s32 $0xFFFFFEF7, lr;
	s5 =	simm.s32 $0xFFFFFFFF;
	p2 =	slt.u32 s8, $0xFFFFF086  }
0x1c: {  	p1 =	slt.u32 s9, $0xF7A;
	s5 =	simm.s32 @!p2 $0x0  }
0x1d: {  	s5 =	simm.s32 @p1 $0x1;
	p0 =	seq.s32 s7, s2  }
0x1e: {  	s7 =	smul.u32 @!p0 $0xF7A, s2;
	p2 =	seq.s32 @!p0 s5, $0x0  }
0x1f: {  	s9 =	smul.u32 $0xF7A, s1;
	s8 =	simm.s32 @!p0 $0x1BF5;
	p2 =	por !p2, p0  }
0x20: {  	[sflag:s8] =	ssyncset.s32 @!p0 $0xFFFFF086;
	s6 =	sadd.s32 @!p0 s3, s7;
	s7 =	simm.s32 @!p0 $0x108  }
0x21: {  	s3 =	sadd.s32 s3, s9;
	s6 =	sadd.s32 @!p0 $0x88, s6;
	s7 =	simm.s32 @p2 $0x1082  }
0x22: {  	[simem:s7], [sflag:s8] =	dma.local @!p0 [hbm:s6], $0xF7A  }
0x23: {  	s9 =	sor.u32 $0xD0000000, s2;
	s6 =	simm.s32 $0x108;
	_ =	swait.ge @!p0 [sflag:s8], $0x0  }
0x24: {  	s3 =	sadd.s32 $0x88, s3;
	s6 =	simm.s32 @!p1 $0x1082;
	[sflag:s4] =	ssyncset.s32 $0xFFFFF086  }
0x25: {  	[simem:s6], [sflag:s4] =	dma.local [hbm:s3], $0xF7A  }
0x26: {  	[smem:$0x3F9D] =	sst s1;
	(tag) =	ssettag s2;
	_ =	strace s9  }
0x27: {  	s1 =	sld [smem:$0x3FAD]  }
0x28: {  	s2 =	sld [smem:$0x3FAE]  }
0x29: {  	s4 =	sld [smem:$0x3FB0]  }
0x2a: {  	p0 =	seq.s32 s5, $0x0;
	s5 =	sld [smem:$0x3FB1]  }
0x2b: {  	s6 =	sld [smem:$0x3FB2]  }
0x2c: {  	s7 =	sld [smem:$0x3FB3]  }
0x2d: {  	s3 =	simm.s32 $0x108;
	s8 =	sld [smem:$0x3FB4]  }
0x2e: {  	s3 =	simm.s32 @!p0 $0x1082;
	s9 =	sld [smem:$0x3FB5]  }
0x2f: {  	lr =	sadd.s32 s0, s3;
	s0 =	sld [smem:$0x3FAC]  }
0x30: {  	s3 =	sld [smem:$0x3FAF]  }
0x31: {  	[smem:$0x3FB8] =	sst s10  }
0x32: {  	s10 =	sld [smem:$0x3FB6];
	_ =	sdelay $0x3  }
0x33: {  	p0 =	seq.s32 s10, $0x1;
	s10 =	sld [smem:$0x3FB8];
	_ =	sdelay $0x3  }
0x34: {  	[smem:$0x3FB8] =	sst s10  }
0x35: {  	s10 =	sld [smem:$0x3FB7];
	_ =	sdelay $0x3  }
0x36: {  	p1 =	seq.s32 s10, $0x1;
	s10 =	sld [smem:$0x3FB8];
	_ =	sdelay $0x3  }
0x37: {  	[smem:$0x3FB8] =	sst s10  }
0x38: {  	s10 =	sld [smem:$0x3FB9]  }
0x39: {  	_ = 	snop;
	(pc) =	sbr.ind lr, $3  }
0x3a: {  	_ = 	snop  }
0x3b: {  	_ = 	snop  }
0x3c: {  	p2 =	seq.s32 s10, $0x1;
	s10 =	sld [smem:$0x3FB8]  }
0x3d: {  	_ =	shalt  }
0x3e: {  	_ =	shalt  }
0x3f: {  	_ =	shalt  }
0x40: {  	_ =	shalt  }
0x41: {  	_ =	shalt  }
0x42: {  	_ =	shalt  }
0x43: {  	_ =	shalt  }
0x44: {  	_ =	shalt  }
0x45: {  	_ =	shalt  }
0x46: {  	_ =	shalt  }
0x47: {  	_ =	shalt  }
0x48: {  	_ =	shalt  }
0x49: {  	_ =	shalt  }
0x4a: {  	_ =	shalt  }
0x4b: {  	_ =	shalt  }
0x4c: {  	_ =	shalt  }
0x4d: {  	_ =	shalt  }
0x4e: {  	_ =	shalt  }
0x4f: {  	_ =	shalt  }
0x50: {  	_ =	shalt  }
0x51: {  	_ =	shalt  }
0x52: {  	_ =	shalt  }
0x53: {  	_ =	shalt  }
0x54: {  	_ =	shalt  }
0x55: {  	_ =	shalt  }
0x56: {  	_ =	shalt  }
0x57: {  	_ =	shalt  }
0x58: {  	_ =	shalt  }
0x59: {  	_ =	shalt  }
0x5a: {  	_ =	shalt  }
0x5b: {  	_ =	shalt  }
0x5c: {  	_ =	shalt  }
0x5d: {  	_ =	shalt  }
0x5e: {  	_ =	shalt  }
0x5f: {  	_ =	shalt  }
0x60: {  	_ =	shalt  }
0x61: {  	_ =	shalt  }
0x62: {  	_ =	shalt  }
0x63: {  	_ =	shalt  }
0x64: {  	_ =	shalt  }
0x65: {  	_ =	shalt  }
0x66: {  	_ =	shalt  }
0x67: {  	_ =	shalt  }
0x68: {  	_ =	shalt  }
0x69: {  	_ =	shalt  }
0x6a: {  	_ =	shalt  }
0x6b: {  	_ =	shalt  }
0x6c: {  	_ =	shalt  }
0x6d: {  	_ =	shalt  }
0x6e: {  	_ =	shalt  }
0x6f: {  	_ =	shalt  }
0x70: {  	_ =	shalt  }
0x71: {  	_ =	shalt  }
0x72: {  	_ =	shalt  }
0x73: {  	_ =	shalt  }
0x74: {  	_ =	shalt  }
0x75: {  	_ =	shalt  }
0x76: {  	_ =	shalt  }
0x77: {  	_ =	shalt  }
0x78: {  	_ =	shalt  }
0x79: {  	_ =	shalt  }
0x7a: {  	_ =	shalt  }
0x7b: {  	_ =	shalt  }
0x7c: {  	_ =	shalt  }
0x7d: {  	_ =	shalt  }
0x7e: {  	_ =	shalt  }
0x7f: {  	_ =	shalt  }
0x80: {  	_ =	shalt  }
0x81: {  	_ =	shalt  }
0x82: {  	_ =	shalt  }
0x83: {  	_ =	shalt  }
0x84: {  	_ =	shalt  }
0x85: {  	_ =	shalt  }
0x86: {  	_ =	shalt  }
0x87: {  	_ =	shalt  }
.Lfunc_end0:
.L_simem_size_0:
called_computation_lowered:
.L_overlay_start_0:
0x88: {  	s2 =	sld [smem:$0x3FD9]  }
0x89: {  	s3 =	sld [smem:$0x3FFE];
	_ =	sdelay $0x1  }
0x8a: {  	s1 =	srdreg.scid  }
0x8b: {  	s0 =	sand.u32 $0x1, s1  }
0x8c: {  	s17 =	sshll.u32 s0, $0xA;
	s2 =	sadd.s32 s3, s2  }
0x8d: {  	s2 =	sadd.s32 s2, s17  }
0x8e: {  	[smem:$0x3FC4] =	sst s2  }
0x8f: {  	_ = 	snop  }
0x90: {  	s2 =	sld [smem:$0x3FD0];
	(tm) =	ssettm $0x1  }
0x91: {  	s18 =	sld [smem:$0x3FFB];
	_ =	sdelay $0x3  }
0x92: {  	_ =	strace s18  }
0x93: {  	s3 =	sld [smem:$0x3FFC];
	_ =	sdelay $0x3  }
0x94: {  	_ =	strace s3  }
0x95: {  	s3 =	sld [smem:$0x3FFD];
	_ =	sdelay $0x3  }
0x96: {  	_ =	strace s3  }
0x97: {  	_ =	strace $0x8FFFFFFF  }
0x98: {  	s19 =	sld [smem:$0x3FDB];
	_ =	sdelay $0x1  }
0x99: {  	s4 =	simm.s32 $_scs_section_size  }
0x9a: {  	s5 =	simm.s32 $_size__tile_overlayer_lowered;
	s6 =	simm.s32 $_tile_overlayer_lowered  }
0x9b: {  	s22 =	simm.s32 $0x1BFF;
	s21 =	sshll.u32 s6, $0x1;
	s3 =	sadd.s32 s4, s19  }
0x9c: {  	s7 =	simm.s32 $0x0;
	s20 =	sshll.u32 s5, $0x1;
	s5 =	sadd.s32 s21, s3  }
0x9d: {  	[timem:s7], [sflag:s22] =	dma.local [hbm:s5], s20  }
0x9e: {  	_ =	swait.ge [sflag:s22], s20  }
0x9f: {  	s4 =	ssub.s32 $0x0, s20;
	[sflag:s22] =	ssyncset.done $0x0  }
0xa0: {  	[sflag:s22] =	ssyncadd.s32 s4;
	_ =	sdelay $0x1  }
0xa1: {  	s23 =	simm.s32 $0x1B8B  }
0xa2: {  	_ =	swait.ge [sflag:s23], $0x1  }
0xa3: {  	[sflag:s23] =	ssyncset.done $0x0  }
0xa4: {  	s25 =	simm.s32 $0x1B8E;
	s24 =	sld [smem:$0x3FFE];
	[sflag:s23] =	ssyncadd.s32 $0xFFFFFFFF  }
0xa5: {  	s26 =	simm.s32 $execute0_lowered;
	[smem:$0x3FD2] =	sst s25  }
0xa6: {  	s5 =	sshll.u32 s26, $0x1;
	_ =	strace $0x80000046;
	[dreg:$0x1] =	wrdreg $0xFFFFFFFF  }
0xa7: {  	s28 =	simm.s32 $_size_execute0_lowered;
	s3 =	sadd.s32 s3, s5;
	[dreg:$0x0] =	wrdreg $0x0  }
0xa8: {  	s5 =	sshll.u32 s28, $0x1;
	[dreg:$0x2] =	wrdreg s3  }
0xa9: {  	[dreg:$0x3] =	wrdreg s5  }
0xaa: {  	[dreg:$0x4] =	wrdreg $0xC0  }
0xab: {  	_ =	task [dreg:s7], $0x5FFFF  }
0xac: {  	[dreg:$0x1] =	wrdreg $0xFFFFFFFF  }
0xad: {  	[dreg:$0x0] =	wrdreg $0x60  }
0xae: {  	[dreg:$0x2] =	wrdreg s24  }
0xaf: {  	[dreg:$0x3] =	wrdreg s2  }
0xb0: {  	[dreg:$0x4] =	wrdreg $0x9  }
0xb1: {  	_ =	task.clear_ibuf [dreg:s7], $0x5FFFF;
	_ =	strace $0x90000046  }
0xb2: {  	s29 =	simm.s32 $0x9;
	_ =	strace $0x80000048  }
0xb3: {  	_ =	swait.ge [sflag:s29], $0x1  }
0xb4: {  	[sflag:s29] =	ssyncadd.s32 $0xFFFFFFFF  }
0xb5: {  	_ =	strace $0x90000048  }
0xb6: {  	_ =	sfence  }
0xb7: {  	s30 =	sld [smem:$0x0];
	_ =	sdelay $0x2  }
0xb8: {  	s31 =	sshll.u32 s1, $0xD;
	s1 =	sshrl.u32 s1, $0x2  }
0xb9: {  	s3 =	sand.u32 $0x4000, s31;
	s1 =	sadd.s32 s1, s30  }
0xba: {  	s0 =	sor.u32 s3, s0;
	s1 =	sshll.u32 s1, $0x11  }
0xbb: {  	s0 =	sor.u32 s1, s0  }
0xbc: {  	s0 =	sadd.s32 $0x8F2B, s0  }
0xbd: {  	[sflag:s0] =	ssyncadd.remote.s32 $0x1  }
0xbe: {  	_ =	sfence.sel $0xFFFF  }
0xbf: {  	[dreg:$0x0] =	wrdreg $0xFFFFFFFF;
	(pc) =	sbr.abs _section_cstart, $3  }
0xc0: {  	[dreg:$0x1] =	wrdreg $0xFFFFFFFF  }
0xc1: {  	_ =	task.clear_ibuf [dreg:s7], $0x2FFFF;
	_ =	strace $0x9FFFFFFF  }
0xc2: {  	(tm) =	ssettm $0x7FFFFFFF  }
0xc3: {  	_ =	shalt  }
tec
execute0_lowered:
.L_overlay_start_1:
0x0: {  	(tag) =	ssettag $0x1  }
0x1: {  	s4 =	rddreg [dreg:$0x0];
	s1 =	srdreg.scid  }
0x2: {  	s0 =	stileid.u32;
	s6 =	rddreg [dreg:$0x1]  }
0x3: {  	s2 =	simm.s32 $0x0;
	s10 =	simm.s32 $0x80;
	s11 =	simm.s32 $0x1  }
0x4: {  	s12 =	simm.s32 $0xC800;
	s3 =	sand.u32 $0x1, s1;
	s1 =	rddreg [dreg:$0x2]  }
0x5: {  	s13 =	simm.s32 $0x0;
	s5 =	sshll.u32 s0, $0x1;
	[smem:$0x7FF] =	sst s2  }
0x6: {  	s5 =	sor.u32 s3, s5;
	_ =	strace $0x80000047;
	s8 =	ssub.s32 $0x2, s3  }
0x7: {  	s7 =	smul.u32 $0xC80, s5;
	s9 =	sshrl.u32 s8, $0x1;
	s31 =	sshll.u32 s5, $0x4  }
0x8: {  	s3 =	sadd.s32 $0x19E00, s4;
	s8 =	ssub.s32 s8, s9;
	s6 =	sadd.s32 s6, s31  }
0x9: {  	s9 =	simm.s32 $0xC880;
	s7 =	sadd.s32 s7, s4;
	s4 =	sadd.s32 $0x39E00, s4  }
0xa: {  	s5 =	sadd.s32 $0xC00, s7;
	s7 =	smax.u32 s8, $0x1;
	s8 =	simm.s32 $0x2  }
.LBB2_1:
0xb: {  	[tilespmem:s2], [sflag:$0x2] =	stream.linear.gather [hbm4b:s5+s2], $0x6400, $0x38;
	[tilespmem:$0xC900] =	vst v63  }
0xc: {  	_ =	swait.ge [sflag:s8], $0x6400  }
0xd: {  	[sflag:s8] =	ssyncset.done $0x0  }
0xe: {  	[sflag:s8] =	ssyncadd.s32 $0xFFFF9C00  }
0xf: {  	[tilespmem:s9], [sflag:$0x2] =	stream.linear.gather [hbm4b:s4+s2], $0x80, $0x38;
	[tilespmem:$0xC900] =	vst v63  }
0x10: {  	_ =	swait.ge [sflag:s8], $0x80  }
0x11: {  	[sflag:s8] =	ssyncset.done $0x0  }
0x12: {  	s14 =	simm.s32 $0x0;
	[sflag:s8] =	ssyncadd.s32 $0xFFFFFF80  }
.LBB2_2:
0x13: {  	p0 =	sne.s32 s14, $0x18E00  }
.Ltmp0:
0x14: {  	_ = 	snop;
	(pc) =	sbr.rel @p0 .LBB2_2-.Ltmp0, $4  }
0x15: {  	_ = 	snop  }
0x16: {  	s15 =	sshra.s32 s14, $0x2  }
0x17: {  	s14 =	sadd.s32 $0x200, s14;
	s16 =	sadd.s32 $0x6400, s15  }
0x18: {  	[tilespmem:s16], [sflag:$0x1] =	stream.indirect.gather [hbm4b:s3+s10], $0x1, s15, s10, $0xb8;
	[tilespmem:$0xC900] =	vst v63  }
0x19: {  	_ =	swait.ge [sflag:s11], $0x80  }
0x1a: {  	s14 =	simm.s32 $0xC7;
	[sflag:s11] =	ssyncset.done $0x0  }
.LBB2_4:
0x1b: {  	p0 =	sne.s32 s14, $0x1;
	s14 =	sadd.s32 $0xFFFFFFFF, s14;
	[sflag:s11] =	ssyncadd.s32 $0xFFFFFF80  }
.Ltmp1:
0x1c: {  	(pc) =	sbr.rel @p0 .LBB2_4-.Ltmp1, $3  }
0x1d: {  	_ =	sdelay $0x1  }
0x1e: {  	_ =	swait.ge [sflag:s11], $0x80  }
0x1f: {  	[sflag:s11] =	ssyncset.done $0x0  }
0x20: {  	[sflag:s11] =	ssyncadd.s32 $0xFFFFFF80  }
0x21: {  	s15 =	simm.s32 $0x0;
	v0 =	vld [tilespmem:$0xC880]  }
0x22: {  	v1 =	vimm.f32 $0.0e+00;
	s14 =	simm.s32 $0x200;
	v2 =	vld [tilespmem:s15+$0x6400]  }
.LBB2_6:
0x23: {  	p0 =	sne.s32 s14, $0x18E00  }
.Ltmp2:
0x24: {  	_ = 	snop;
	(pc) =	sbr.rel @p0 .LBB2_6-.Ltmp2, $3  }
0x25: {  	_ =	sdelay $0x1  }
0x26: {  	s15 =	sshra.s32 s14, $0x2;
	s14 =	sadd.s32 $0x200, s14;
	v1 =	vadd.f32 v2, v1  }
0x27: {  	v2 =	vld [tilespmem:s15+$0x6400]  }
0x28: {  	_ =	sdelay $0x3  }
0x29: {  	v1 =	vadd.f32 v2, v1;
	_ =	sdelay $0x1  }
0x2a: {  	v1 =	vadd.f32 v1, v0;
	_ =	sdelay $0x1  }
0x2b: {  	s15 =	simm.s32 $0x10;
	[tilespmem:$0xC800] =	vst v1  }
0x2c: {  	s14 =	simm.s32 $0x240;
	v1 =	vimm.f32 $0.0e+00;
	v2 =	vld [tilespmem:s15+$0x6400]  }
.LBB2_8:
0x2d: {  	p0 =	sne.s32 s14, $0x18E40  }
.Ltmp3:
0x2e: {  	_ = 	snop;
	(pc) =	sbr.rel @p0 .LBB2_8-.Ltmp3, $3  }
0x2f: {  	_ =	sdelay $0x1  }
0x30: {  	s15 =	sshra.s32 s14, $0x2;
	s14 =	sadd.s32 $0x200, s14;
	v1 =	vadd.f32 v2, v1  }
0x31: {  	v2 =	vld [tilespmem:s15+$0x6400]  }
0x32: {  	_ =	sdelay $0x3  }
0x33: {  	v1 =	vadd.f32 v2, v1;
	_ =	sdelay $0x1  }
0x34: {  	v1 =	vadd.f32 v1, v0;
	_ =	sdelay $0x1  }
0x35: {  	s15 =	simm.s32 $0x20;
	[tilespmem:$0xC810] =	vst v1  }
0x36: {  	s14 =	simm.s32 $0x280;
	v1 =	vimm.f32 $0.0e+00;
	v2 =	vld [tilespmem:s15+$0x6400]  }
.LBB2_10:
0x37: {  	p0 =	sne.s32 s14, $0x18E80  }
.Ltmp4:
0x38: {  	_ = 	snop;
	(pc) =	sbr.rel @p0 .LBB2_10-.Ltmp4, $3  }
0x39: {  	_ =	sdelay $0x1  }
0x3a: {  	s15 =	sshra.s32 s14, $0x2;
	s14 =	sadd.s32 $0x200, s14;
	v1 =	vadd.f32 v2, v1  }
0x3b: {  	v2 =	vld [tilespmem:s15+$0x6400]  }
0x3c: {  	_ =	sdelay $0x3  }
0x3d: {  	v1 =	vadd.f32 v2, v1;
	_ =	sdelay $0x1  }
0x3e: {  	v1 =	vadd.f32 v1, v0;
	_ =	sdelay $0x1  }
0x3f: {  	s15 =	simm.s32 $0x30;
	[tilespmem:$0xC820] =	vst v1  }
0x40: {  	s14 =	simm.s32 $0x2C0;
	v1 =	vimm.f32 $0.0e+00;
	v2 =	vld [tilespmem:s15+$0x6400]  }
.LBB2_12:
0x41: {  	p0 =	sne.s32 s14, $0x18EC0  }
.Ltmp5:
0x42: {  	_ = 	snop;
	(pc) =	sbr.rel @p0 .LBB2_12-.Ltmp5, $3  }
0x43: {  	_ =	sdelay $0x1  }
0x44: {  	s15 =	sshra.s32 s14, $0x2;
	s14 =	sadd.s32 $0x200, s14;
	v1 =	vadd.f32 v2, v1  }
0x45: {  	v2 =	vld [tilespmem:s15+$0x6400]  }
0x46: {  	_ =	sdelay $0x3  }
0x47: {  	v1 =	vadd.f32 v2, v1;
	_ =	sdelay $0x1  }
0x48: {  	v1 =	vadd.f32 v1, v0;
	_ =	sdelay $0x1  }
0x49: {  	s15 =	simm.s32 $0x40;
	[tilespmem:$0xC830] =	vst v1  }
0x4a: {  	s14 =	simm.s32 $0x300;
	v1 =	vimm.f32 $0.0e+00;
	v2 =	vld [tilespmem:s15+$0x6400]  }
.LBB2_14:
0x4b: {  	p0 =	sne.s32 s14, $0x18F00  }
.Ltmp6:
0x4c: {  	_ = 	snop;
	(pc) =	sbr.rel @p0 .LBB2_14-.Ltmp6, $3  }
0x4d: {  	_ =	sdelay $0x1  }
0x4e: {  	s15 =	sshra.s32 s14, $0x2;
	s14 =	sadd.s32 $0x200, s14;
	v1 =	vadd.f32 v2, v1  }
0x4f: {  	v2 =	vld [tilespmem:s15+$0x6400]  }
0x50: {  	_ =	sdelay $0x3  }
0x51: {  	v1 =	vadd.f32 v2, v1;
	_ =	sdelay $0x1  }
0x52: {  	v1 =	vadd.f32 v1, v0;
	_ =	sdelay $0x1  }
0x53: {  	s15 =	simm.s32 $0x50;
	[tilespmem:$0xC840] =	vst v1  }
0x54: {  	s14 =	simm.s32 $0x340;
	v1 =	vimm.f32 $0.0e+00;
	v2 =	vld [tilespmem:s15+$0x6400]  }
.LBB2_16:
0x55: {  	p0 =	sne.s32 s14, $0x18F40  }
.Ltmp7:
0x56: {  	_ = 	snop;
	(pc) =	sbr.rel @p0 .LBB2_16-.Ltmp7, $3  }
0x57: {  	_ =	sdelay $0x1  }
0x58: {  	s15 =	sshra.s32 s14, $0x2;
	s14 =	sadd.s32 $0x200, s14;
	v1 =	vadd.f32 v2, v1  }
0x59: {  	v2 =	vld [tilespmem:s15+$0x6400]  }
0x5a: {  	_ =	sdelay $0x3  }
0x5b: {  	v1 =	vadd.f32 v2, v1;
	_ =	sdelay $0x1  }
0x5c: {  	v1 =	vadd.f32 v1, v0;
	_ =	sdelay $0x1  }
0x5d: {  	s15 =	simm.s32 $0x60;
	[tilespmem:$0xC850] =	vst v1  }
0x5e: {  	s14 =	simm.s32 $0x380;
	v1 =	vimm.f32 $0.0e+00;
	v2 =	vld [tilespmem:s15+$0x6400]  }
.LBB2_18:
0x5f: {  	p0 =	sne.s32 s14, $0x18F80  }
.Ltmp8:
0x60: {  	_ = 	snop;
	(pc) =	sbr.rel @p0 .LBB2_18-.Ltmp8, $3  }
0x61: {  	_ =	sdelay $0x1  }
0x62: {  	s15 =	sshra.s32 s14, $0x2;
	s14 =	sadd.s32 $0x200, s14;
	v1 =	vadd.f32 v2, v1  }
0x63: {  	v2 =	vld [tilespmem:s15+$0x6400]  }
0x64: {  	_ =	sdelay $0x3  }
0x65: {  	v1 =	vadd.f32 v2, v1;
	_ =	sdelay $0x1  }
0x66: {  	v1 =	vadd.f32 v1, v0;
	_ =	sdelay $0x1  }
0x67: {  	s15 =	simm.s32 $0x70;
	[tilespmem:$0xC860] =	vst v1  }
0x68: {  	s14 =	simm.s32 $0x3C0;
	v1 =	vimm.f32 $0.0e+00;
	v2 =	vld [tilespmem:s15+$0x6400]  }
.LBB2_20:
0x69: {  	p0 =	sne.s32 s14, $0x18FC0  }
.Ltmp9:
0x6a: {  	_ = 	snop;
	(pc) =	sbr.rel @p0 .LBB2_20-.Ltmp9, $3  }
0x6b: {  	_ =	sdelay $0x1  }
0x6c: {  	s15 =	sshra.s32 s14, $0x2;
	s14 =	sadd.s32 $0x200, s14;
	v1 =	vadd.f32 v2, v1  }
0x6d: {  	v2 =	vld [tilespmem:s15+$0x6400]  }
0x6e: {  	_ =	sdelay $0x3  }
0x6f: {  	v1 =	vadd.f32 v2, v1;
	_ =	sdelay $0x1  }
0x70: {  	s13 =	sadd.s32 $0x1, s13;
	v0 =	vadd.f32 v1, v0  }
0x71: {  	p0 =	sne.s32 s13, s7  }
.Ltmp10:
0x72: {  	[tilespmem:$0xC870] =	vst v0;
	(pc) =	sbr.rel @p0 .LBB2_1-.Ltmp10, $4  }
0x73: {  	[hbm4b:s6+s2] =	stream.linear.scatter [tilespmem:s12], [sflag:$0x2], $0x80, $0x38;
	[tilespmem:$0xC900] =	vst v63  }
0x74: {  	_ =	swait.ge [sflag:s8], $0x80  }
0x75: {  	[sflag:s8] =	ssyncset.done $0x0  }
0x76: {  	[sflag:s8] =	ssyncadd.s32 $0xFFFFFF80  }
0x77: {  	_ =	sfence.sel $0x180000  }
0x78: {  	[bflag:$0x0] =	sbarrier.arrive $0xFFFF  }
0x79: {  	p0 =	sne.s32 s0, $0x0;
	_ =	strace $0x90000047  }
0x7a: {  	s0 =	sadd.s32 @!p0 $0x100000, s1;
	[bflag:$0x2] =	sbarrier.arrive $0xFFFF  }
0x7b: {  	[sflag:s0] =	ssyncadd.tile.s32 @!p0 $0x1;
	_ =	shalt  }
.Lfunc_end2:
_tile_overlayer_lowered:
.L_overlay_start_2:
0x7c: {  	(tag) =	ssettag $0x2  }
0x7d: {  	s0 =	rddreg [dreg:$0x0];
	s2 =	stileid.u32  }
0x7e: {  	s1 =	rddreg [dreg:$0x1];
	p0 =	sne.s32 s2, $0x0  }
0x7f: {  	s3 =	rddreg [dreg:$0x2];
	[bflag:$0x3] =	sbarrier.arrive $0xFFFF;
	s2 =	simm.s32 @!p0 $0x1C02  }
0x80: {  	[timem:s3], [sflag:s2] =	dma.local @!p0 [hbm:s0], s1  }
0x81: {  	s0 =	simm.s32 @!p0 $0x2  }
0x82: {  	_ =	swait.ge @!p0 [sflag:s0], s1  }
0x83: {  	s1 =	ssub.s32 @!p0 $0x0, s1;
	[sflag:s0] =	ssyncset.done @!p0 $0x0  }
0x84: {  	[sflag:s0] =	ssyncadd.s32 @!p0 s1  }
0x85: {  	[bflag:$0x3] =	sbarrier.arrive $0xFFFF  }
0x86: {  	_ =	shalt  }

</sc_bundles>
